<compile_context>
chip_gen: v7x
topology: tpu7x:2x2x1
jax: 0.10.2.dev20260603
libtpu: 0.0.44.dev20260713+nightly
codegen_flags: <defaults>
</compile_context>

<pallas_src>
import jax
import jax.numpy as jnp
from jax.experimental import pallas as pl
from jax.experimental.pallas import tpu as pltpu

B = 128
N = 5000
E = 64
ROWS = B * N * E // 128
CP_R = 10000


def _copy_body(mem_blk, out_blk):
    out_blk[...] = mem_blk[...]


def _pure_copy(memory):
    m2 = memory.reshape(ROWS, 128)
    out = pl.pallas_call(
        _copy_body,
        grid=(ROWS // CP_R,),
        in_specs=[pl.BlockSpec((CP_R, 128), lambda j: (j, 0))],
        out_specs=pl.BlockSpec((CP_R, 128), lambda j: (j, 0)),
        out_shape=jax.ShapeDtypeStruct((ROWS, 128), jnp.float32),
        compiler_params=pltpu.CompilerParams(
            dimension_semantics=("parallel",)),
    )(m2)
    return out.reshape(B, N, E)


def kernel(user_ids, item_ids, user_features, item_features,
           user_memory, item_memory,
           Wih_u, Whh_u, bih_u, bhh_u, Wih_i, Whh_i, bih_i, bhh_i):
    new_user_mem = _pure_copy(user_memory)
    new_item_mem = _pure_copy(item_memory)
    out = jnp.zeros((B, 2 + 2 * E), jnp.float32)
    return out, new_user_mem, new_item_mem

# --- scband reference (transcript-rebuilt; emitter-appended) ---
"""Pipeline reference for scband-li-mnet-42838003810565 (READ-ONLY COPY).

The authoritative reference and input builder live on the scoring server;
editing this copy changes nothing except your own understanding.
"""

import jax, jax.numpy as jnp
import numpy as np

B = 128
U = 5000
I = 5000
E = 64
IN = 2 * E  # user_feature_size = item_feature_size = 0


def gru_cell(x, h, Wih, Whh, bih, bhh):
    # PyTorch GRUCell semantics
    gi = x @ Wih.T + bih
    gh = h @ Whh.T + bhh
    i_r, i_z, i_n = jnp.split(gi, 3, axis=1)
    h_r, h_z, h_n = jnp.split(gh, 3, axis=1)
    r = jax.nn.sigmoid(i_r + h_r)
    z = jax.nn.sigmoid(i_z + h_z)
    n = jnp.tanh(i_n + r * h_n)
    return (1.0 - z) * n + z * h


def l2norm(x):
    # torch.nn.functional.normalize(dim=1)
    nrm = jnp.linalg.norm(x, axis=1, keepdims=True)
    return x / jnp.maximum(nrm, 1e-12)


def setup_inputs(seed: int = 0) -> dict:
    key = jax.random.key(seed)
    ks = jax.random.split(key, 12)
    s = 0.05
    return {
        "user_ids": jax.random.randint(ks[0], (B,), 0, U),
        "item_ids": jax.random.randint(ks[1], (B,), 0, I),
        "user_features": jnp.zeros((B, 0), dtype=jnp.float32),
        "item_features": jnp.zeros((B, 0), dtype=jnp.float32),
        "user_memory": jax.random.normal(ks[2], (B, U, E), dtype=jnp.float32),
        "item_memory": jax.random.normal(ks[3], (B, I, E), dtype=jnp.float32),
        "Wih_u": jax.random.normal(ks[4], (3 * E, IN), dtype=jnp.float32) * s,
        "Whh_u": jax.random.normal(ks[5], (3 * E, E), dtype=jnp.float32) * s,
        "bih_u": jax.random.normal(ks[6], (3 * E,), dtype=jnp.float32) * s,
        "bhh_u": jax.random.normal(ks[7], (3 * E,), dtype=jnp.float32) * s,
        "Wih_i": jax.random.normal(ks[8], (3 * E, IN), dtype=jnp.float32) * s,
        "Whh_i": jax.random.normal(ks[9], (3 * E, E), dtype=jnp.float32) * s,
        "bih_i": jax.random.normal(ks[10], (3 * E,), dtype=jnp.float32) * s,
        "bhh_i": jax.random.normal(ks[11], (3 * E,), dtype=jnp.float32) * s,
    }


def reference(user_ids, item_ids, user_features, item_features, user_memory, item_memory,
              Wih_u, Whh_u, bih_u, bhh_u, Wih_i, Whh_i, bih_i, bhh_i):
    bsz = user_ids.shape[0]
    ar = jnp.arange(bsz)
    # gather current embeddings from memory
    um = user_memory[ar, user_ids]
    im = item_memory[ar, item_ids]
    user_inputs = jnp.concatenate([um, user_features, im, item_features], axis=1)
    item_inputs = jnp.concatenate([im, item_features, um, user_features], axis=1)
    new_u = gru_cell(user_inputs, um, Wih_u, Whh_u, bih_u, bhh_u)
    new_i = gru_cell(item_inputs, im, Wih_i, Whh_i, bih_i, bhh_i)
    new_u = l2norm(new_u)
    new_i = l2norm(new_i)
    # scatter updated embeddings back into memory (functional analog of in-place write)
    new_user_memory = user_memory.at[ar, user_ids].set(new_u)
    new_item_memory = item_memory.at[ar, item_ids].set(new_i)
    out = jnp.concatenate([
        user_ids[:, None].astype(jnp.float32),
        item_ids[:, None].astype(jnp.float32),
        new_u,
        new_i,
    ], axis=1)
    return out, new_user_memory, new_item_memory

if __name__ == "__main__":
    import jax
    _d = setup_inputs()
    print(jax.jit(kernel)(*tuple(_d.values())))

</pallas_src>

<mosaic_0001>
module attributes {stable_mosaic.version = 14 : i64} {
  func.func @_copy_body(%arg0: i32, %arg1: memref<10000x128xf32, #tpu.memory_space<vmem>>, %arg2: memref<10000x128xf32, #tpu.memory_space<vmem>>) attributes {dimension_semantics = [#tpu.dimension_semantics<parallel>], iteration_bounds = array<i64: 32>, scalar_prefetch = 0 : i64, scratch_operands = 0 : i64, tpu.core_type = #tpu.core_type<tc>, window_params = [{transform_indices = @transform_0, window_bounds = array<i64: 10000, 128>}, {transform_indices = @transform_1, window_bounds = array<i64: 10000, 128>}]} {
    %get3A = arith.constant 0 : index
    %get3A_0 = arith.constant 0 : index
    %get3A_1 = vector.load %arg1[%get3A, %get3A_0] : memref<10000x128xf32, #tpu.memory_space<vmem>>, vector<10000x128xf32>
    %swap3A = arith.constant 0 : index
    %swap3A_2 = arith.constant 0 : index
    %swap3A_3 = vector.load %arg2[%swap3A, %swap3A_2] : memref<10000x128xf32, #tpu.memory_space<vmem>>, vector<10000x128xf32>
    tpu.vector_store %arg2[%swap3A, %swap3A_2], %get3A_1 {strides = array<i32>} : memref<10000x128xf32, #tpu.memory_space<vmem>>, vector<10000x128xf32>,
    return
  }
  func.func @transform_0(%arg0: i32) -> (i32, i32) {
    %c0_i32 = arith.constant 0 : i32
    %c0_i32_0 = arith.constant 0 : i32
    return %arg0, %c0_i32 : i32, i32
  }
  func.func @transform_1(%arg0: i32) -> (i32, i32) {
    %c0_i32 = arith.constant 0 : i32
    %c0_i32_0 = arith.constant 0 : i32
    return %arg0, %c0_i32 : i32, i32
  }
}

</mosaic_0001>

<sc_bundles>
// kernel: sparse-core-data-format-call.1.cloned.1.call-start
scs
called_computation.1_lowered:
.L_overlay_start_0:
0x0: {  	s2 =	sld [smem:$0x3FD9]  }
0x1: {  	s3 =	sld [smem:$0x3FFE];
	_ =	sdelay $0x1  }
0x2: {  	s1 =	srdreg.scid  }
0x3: {  	s0 =	sand.u32 $0x1, s1  }
0x4: {  	s15 =	sshll.u32 s0, $0xA;
	s2 =	sadd.s32 s3, s2  }
0x5: {  	s2 =	sadd.s32 s2, s15  }
0x6: {  	[smem:$0x3FC6] =	sst s2  }
0x7: {  	_ = 	snop  }
0x8: {  	s2 =	sld [smem:$0x3FD0];
	_ =	sdelay $0x2  }
0x9: {  	s16 =	simm.s32 $0xB;
	s4 =	simm.s32 $0x10  }
0xa: {  	[smem:s4], [sflag:s16] =	dma.local [hbm:s2], $0x1  }
0xb: {  	_ =	swait.eq [sflag:s16], $0x1  }
0xc: {  	[sflag:s16] =	ssyncset.done $0x0  }
0xd: {  	[sflag:s16] =	ssyncadd.s32 $0xFFFFFFFF  }
0xe: {  	s17 =	sld [smem:$0x11];
	(tm) =	ssettm $0x1  }
0xf: {  	s18 =	sld [smem:$0x3FFB];
	_ =	sdelay $0x3  }
0x10: {  	_ =	strace s18  }
0x11: {  	s3 =	sld [smem:$0x3FFC];
	_ =	sdelay $0x3  }
0x12: {  	_ =	strace s3  }
0x13: {  	s3 =	sld [smem:$0x3FFD];
	_ =	sdelay $0x3  }
0x14: {  	_ =	strace s3  }
0x15: {  	_ =	strace $0x8FFFFFFF  }
0x16: {  	s19 =	sld [smem:$0x3FDB];
	_ =	sdelay $0x1  }
0x17: {  	s20 =	simm.s32 $_scs_section_size  }
0x18: {  	s5 =	simm.s32 $_size__tile_overlayer_lowered;
	s6 =	simm.s32 $_tile_overlayer_lowered  }
0x19: {  	s23 =	simm.s32 $0x1BFF;
	s22 =	sshll.u32 s6, $0x1;
	s3 =	sadd.s32 s20, s19  }
0x1a: {  	s7 =	simm.s32 $0x0;
	s21 =	sshll.u32 s5, $0x1;
	s5 =	sadd.s32 s22, s3  }
0x1b: {  	[timem:s7], [sflag:s23] =	dma.local [hbm:s5], s21  }
0x1c: {  	_ =	swait.ge [sflag:s23], s21  }
0x1d: {  	s4 =	ssub.s32 $0x0, s21;
	[sflag:s23] =	ssyncset.done $0x0  }
0x1e: {  	[sflag:s23] =	ssyncadd.s32 s4;
	_ =	sdelay $0x1  }
0x1f: {  	s24 =	simm.s32 $0x1B8B  }
0x20: {  	_ =	swait.ge [sflag:s24], $0x1  }
0x21: {  	[sflag:s24] =	ssyncset.done $0x0  }
0x22: {  	s26 =	simm.s32 $0x1B8E;
	s25 =	sld [smem:$0x3FFE];
	[sflag:s24] =	ssyncadd.s32 $0xFFFFFFFF  }
0x23: {  	s27 =	simm.s32 $execute0_lowered;
	[smem:$0x3FD2] =	sst s26  }
0x24: {  	s5 =	sshll.u32 s27, $0x1;
	_ =	strace $0x80000046;
	[dreg:$0x1] =	wrdreg $0xFFFFFFFF  }
0x25: {  	s28 =	simm.s32 $_size_execute0_lowered;
	s3 =	sadd.s32 s3, s5;
	[dreg:$0x0] =	wrdreg $0x0  }
0x26: {  	s5 =	sshll.u32 s28, $0x1;
	[dreg:$0x2] =	wrdreg s3  }
0x27: {  	[dreg:$0x3] =	wrdreg s5  }
0x28: {  	[dreg:$0x4] =	wrdreg $0xC0  }
0x29: {  	_ =	task [dreg:s7], $0x5FFFF  }
0x2a: {  	[dreg:$0x1] =	wrdreg $0xFFFFFFFF  }
0x2b: {  	[dreg:$0x0] =	wrdreg $0x60  }
0x2c: {  	[dreg:$0x2] =	wrdreg s25  }
0x2d: {  	[dreg:$0x3] =	wrdreg s17  }
0x2e: {  	[dreg:$0x4] =	wrdreg $0xA  }
0x2f: {  	_ =	task.clear_ibuf [dreg:s7], $0x5FFFF;
	_ =	strace $0x90000046  }
0x30: {  	s29 =	simm.s32 $0xA;
	_ =	strace $0x80000048  }
0x31: {  	_ =	swait.ge [sflag:s29], $0x1  }
0x32: {  	[sflag:s29] =	ssyncadd.s32 $0xFFFFFFFF  }
0x33: {  	_ =	strace $0x90000048  }
0x34: {  	_ =	sfence  }
0x35: {  	s30 =	sld [smem:$0x0];
	_ =	sdelay $0x2  }
0x36: {  	s31 =	sshll.u32 s1, $0xD;
	s1 =	sshrl.u32 s1, $0x2  }
0x37: {  	s3 =	sand.u32 $0x4000, s31;
	s1 =	sadd.s32 s1, s30  }
0x38: {  	s0 =	sor.u32 s3, s0;
	s1 =	sshll.u32 s1, $0x11  }
0x39: {  	s0 =	sor.u32 s1, s0  }
0x3a: {  	s0 =	sadd.s32 $0x8F2B, s0  }
0x3b: {  	[sflag:s0] =	ssyncadd.remote.s32 $0x1  }
0x3c: {  	_ =	sfence.sel $0xFFFF  }
0x3d: {  	[dreg:$0x0] =	wrdreg $0xFFFFFFFF;
	(pc) =	sbr.abs _section_cstart, $3  }
0x3e: {  	[dreg:$0x1] =	wrdreg $0xFFFFFFFF  }
0x3f: {  	_ =	task.clear_ibuf [dreg:s7], $0x2FFFF;
	_ =	strace $0x9FFFFFFF  }
0x40: {  	(tm) =	ssettm $0x7FFFFFFF  }
0x41: {  	_ =	shalt  }
tec
execute0_lowered:
.L_overlay_start_1:
0x0: {  	(tag) =	ssettag $0x1  }
0x1: {  	s5 =	rddreg [dreg:$0x0]  }
0x2: {  	s0 =	srdreg.scid;
	s2 =	rddreg [dreg:$0x1]  }
0x3: {  	s1 =	stileid.u32;
	s4 =	simm.s32 $0x1;
	s6 =	simm.s32 $0x2  }
0x4: {  	s12 =	simm.s32 $0x0;
	p0 =	por $0x0, $0x0;
	s3 =	sshll.u32 s0, $0x4  }
.Ltmp0:
0x5: {  	s11 =	simm.s32 $0x0;
	s3 =	sand.u32 $0x10, s3;
	(pc) =	sbr.rel .LBB1_1-.Ltmp0, $4  }
0x6: {  	s0 =	rddreg [dreg:$0x2];
	_ =	strace $0x80000047;
	s3 =	sor.u32 s1, s3  }
0x7: {  	s9 =	simm.s32 $0x0;
	[sflag:s4] =	ssyncpa.u1 $0x0;
	s7 =	ssub.s32 $0x13A7, s3  }
0x8: {  	s10 =	simm.s32 $0x0;
	[sflag:s6] =	ssyncpa.u1 $0x0;
	s6 =	sshrl.u32 s7, $0x5  }
0x9: {  	s5 =	sadd.s32 $0x800, s5;
	s8 =	smov.u32 s3;
	s7 =	sadd.s32 $0x1, s6  }
.LBB1_4:
0xa: {  	s15 =	sand.u32 $0x380, s11  }
0xb: {  	[tilespmem:s14+$0x810 ss:$0x81] =	vst.msk $0xffff, v2;
	s12 =	sshll.u32 s12, $0xA;
	s16 =	sshrl.u32 s11, $0x3;
	s15 =	sadd.s32 s2, s15  }
0xc: {  	[tilespmem:s14+$0x1020 ss:$0x81] =	vst.msk $0xffff, v0;
	s16 =	sand.u32 $0xF, s16;
	s12 =	sadd.s32 s12, s15  }
0xd: {  	[tilespmem:s14+$0x0 ss:$0x81] =	vst.msk $0xffff, v1;
	s31 =	sand.u32 $0x7, s11;
	s12 =	sadd.s32 s16, s12  }
0xe: {  	[hbm4b:s12+s31] =	stream.linear.scatter [tilespmem:s13], [sflag:$0x2], $0x2000, $0x20;
	[tilespmem:$0x8080] =	vst v63  }
.LBB1_5:
0xf: {  	s13 =	sadd.s32 $0x20, s8  }
0x10: {  	s11 =	sadd.s32 $0x80, s9;
	s15 =	smov.u32 s9;
	p2 =	sgt.s32 s13, $0x1387  }
0x11: {  	s15 =	smov.u32 @p2 s11  }
0x12: {  	s13 =	smov.u32 @p2 s3;
	p2 =	sgt.s32 s15, $0x7F  }
0x13: {  	s15 =	simm.s32 @p2 $0x0;
	p2 =	sne.s32 s10, s7  }
.Ltmp1:
0x14: {  	p1 =	slt.u32 s10, $0x2;
	(pc) =	sbr.rel @!p2 .LBB1_6-.Ltmp1, $4  }
0x15: {  	s14 =	simm.s32 @!p1 $0x2  }
0x16: {  	s12 =	smov.u32 s8;
	p0 =	por !p0, !p0;
	_ =	swait.ge @!p1 [sflag:s14], $0x2000  }
0x17: {  	s11 =	smov.u32 s9;
	[sflag:s14] =	ssyncset.done @!p1 $0x0;
	s8 =	smov.u32 s13  }
0x18: {  	s10 =	sadd.s32 $0x1, s10;
	[sflag:s14] =	ssyncadd.s32 @!p1 $0xFFFFE000;
	s9 =	smov.u32 s15  }
.LBB1_1:
0x19: {  	p1 =	sge.u32 s10, s6  }
0x1a: {  	s13 =	sand.u32 @!p1 $0x1FFFFFF, s8  }
0x1b: {  	s14 =	smulhi.u32 @!p1 $0x1A36E2F, s13;
	_ =	sdelay $0x1  }
0x1c: {  	s14 =	sshrl.u32 @!p1 s14, $0x5  }
0x1d: {  	s14 =	smul.u32 @!p1 $0x1388, s14  }
0x1e: {  	s15 =	sxor.u32 @!p1 $0xFFFFFFFF, s10;
	s16 =	smul.u32 @!p1 $0x13880, s9  }
0x1f: {  	s31 =	sadd.s32 $0xFFFFFFFF, s10;
	s15 =	sshll.u32 @!p1 s15, $0xD;
	s13 =	ssub.s32 @!p1 s13, s14  }
0x20: {  	s14 =	sand.u32 @!p1 $0x2000, s15;
	s15 =	sadd.s32 @!p1 s5, s16;
	s13 =	sshll.u32 @!p1 s13, $0x4  }
0x21: {  	s16 =	simm.s32 @!p1 $0x9C400;
	s13 =	sadd.s32 @!p1 s13, s15;
	s15 =	simm.s32 @!p1 $0x40  }
0x22: {  	[tilespmem:s14], [sflag:$0x1] =	stream.strided.gather @!p1 [hbm4b:s13+s15], $0x2000, s16, s15, $0x38;
	[tilespmem:$0x8080] =	vst v63  }
0x23: {  	p1 =	sge.u32 s31, s6  }
.Ltmp2:
0x24: {  	_ = 	snop;
	(pc) =	sbr.rel @p1 .LBB1_5-.Ltmp2, $1  }
0x25: {  	_ =	sdelay $0x3  }
0x26: {  	s13 =	simm.s32 $0x1  }
0x27: {  	_ =	swait.ge [sflag:s4], $0x2000;
	s13 =	simm.s32 @!p0 $0x0  }
0x28: {  	[sflag:s4] =	ssyncset.done $0x0;
	s14 =	sshll.u32 s13, $0xD  }
0x29: {  	[sflag:s4] =	ssyncadd.s32 $0xFFFFE000;
	s17 =	sor.u32 $0x20, s14  }
0x2a: {  	s13 =	smul.u32 $0x8100, s13;
	v3 =	vld [tilespmem:s17+$0x10]  }
0x2b: {  	s30 =	sand.u32 $0x1, s10;
	v2 =	vld [tilespmem:s17+$0xFFFFFFF0]  }
0x2c: {  	s14 =	smul.u32 $0x8100, s30;
	s13 =	sshrl.u32 s13, $0x2;
	v0 =	vld [tilespmem:s17+$0x0]  }
0x2d: {  	v1 =	vld [tilespmem:s17+$0xFFFFFFE0];
	s15 =	sor.u32 $0x4000, s13  }
0x2e: {  	s31 =	sshrl.u32 s14, $0x2;
	s14 =	sadd.s32 $0x0, s15  }
0x2f: {  	s16 =	simm.s32 $0x4;
	s17 =	sadd.s32 $0x40, s17;
	s13 =	sor.u32 $0x4000, s31;
	[tilespmem:s14+$0x1830 ss:$0x81] =	vst.msk $0xffff, v3  }
.LBB1_3:
0x30: {  	v3 =	vld [tilespmem:s17+$0x10];
	p1 =	sne.s32 s16, $0x1FC;
	[tilespmem:s14+$0x810 ss:$0x81] =	vst.msk $0xffff, v2;
	s18 =	smov.u32 s16;
	s16 =	sadd.s32 $0x4, s16  }
.Ltmp3:
0x31: {  	v2 =	vld [tilespmem:s17+$0xFFFFFFF0];
	[tilespmem:s14+$0x1020 ss:$0x81] =	vst.msk $0xffff, v0;
	(pc) =	sbr.rel @p1 .LBB1_3-.Ltmp3, $4  }
0x32: {  	v0 =	vld [tilespmem:s17+$0x0];
	[tilespmem:s14+$0x0 ss:$0x81] =	vst.msk $0xffff, v1  }
0x33: {  	s14 =	sshra.s32 s18, $0x2;
	v1 =	vld [tilespmem:s17+$0xFFFFFFE0]  }
0x34: {  	s14 =	sadd.s32 s14, s15  }
0x35: {  	s17 =	sadd.s32 $0x40, s17;
	[tilespmem:s14+$0x1830 ss:$0x81] =	vst.msk $0xffff, v3  }
.Ltmp4:
0x36: {  	_ = 	snop;
	(pc) =	sbr.rel .LBB1_4-.Ltmp4, $1  }
0x37: {  	_ =	sdelay $0x3  }
.LBB1_6:
0x38: {  	_ =	sfence.sel $0x180000  }
0x39: {  	s2 =	simm.s32 $0x1;
	[bflag:$0x0] =	sbarrier.arrive $0xFFFF  }
0x3a: {  	s31 =	simm.s32 $0x2;
	[sflag:s2] =	ssyncpa.u1 $0x1  }
0x3b: {  	[sflag:s31] =	ssyncpa.u1 $0x1  }
0x3c: {  	p0 =	sne.s32 s1, $0x0;
	_ =	strace $0x90000047  }
0x3d: {  	s0 =	sadd.s32 @!p0 $0x100000, s0;
	[bflag:$0x2] =	sbarrier.arrive $0xFFFF  }
0x3e: {  	[sflag:s0] =	ssyncadd.tile.s32 @!p0 $0x1;
	_ =	shalt  }
.Lfunc_end1:
_tile_overlayer_lowered:
.L_overlay_start_2:
0x3f: {  	(tag) =	ssettag $0x2  }
0x40: {  	s0 =	rddreg [dreg:$0x0];
	s2 =	stileid.u32  }
0x41: {  	s1 =	rddreg [dreg:$0x1];
	p0 =	sne.s32 s2, $0x0  }
0x42: {  	s3 =	rddreg [dreg:$0x2];
	[bflag:$0x3] =	sbarrier.arrive $0xFFFF;
	s2 =	simm.s32 @!p0 $0x1C01  }
0x43: {  	[timem:s3], [sflag:s2] =	dma.local @!p0 [hbm:s0], s1  }
0x44: {  	s0 =	simm.s32 @!p0 $0x1  }
0x45: {  	_ =	swait.ge @!p0 [sflag:s0], s1  }
0x46: {  	s1 =	ssub.s32 @!p0 $0x0, s1;
	[sflag:s0] =	ssyncset.done @!p0 $0x0  }
0x47: {  	[sflag:s0] =	ssyncadd.s32 @!p0 s1  }
0x48: {  	[bflag:$0x3] =	sbarrier.arrive $0xFFFF  }
0x49: {  	_ =	shalt  }

// kernel: sparse-core-data-format-call.cloned.1.call-start
scs
called_computation_lowered:
.L_overlay_start_0:
0x0: {  	s2 =	sld [smem:$0x3FD9]  }
0x1: {  	s3 =	sld [smem:$0x3FFE];
	_ =	sdelay $0x1  }
0x2: {  	s1 =	srdreg.scid  }
0x3: {  	s0 =	sand.u32 $0x1, s1  }
0x4: {  	s16 =	sshll.u32 s0, $0xA;
	s2 =	sadd.s32 s3, s2  }
0x5: {  	s2 =	sadd.s32 s2, s16  }
0x6: {  	[smem:$0x3FC6] =	sst s2  }
0x7: {  	_ = 	snop  }
0x8: {  	s2 =	sld [smem:$0x3FD0];
	_ =	sdelay $0x2  }
0x9: {  	s17 =	simm.s32 $0xB;
	s4 =	simm.s32 $0x10  }
0xa: {  	[smem:s4], [sflag:s17] =	dma.local [hbm:s2], $0x1  }
0xb: {  	_ =	swait.eq [sflag:s17], $0x1  }
0xc: {  	[sflag:s17] =	ssyncset.done $0x0  }
0xd: {  	[sflag:s17] =	ssyncadd.s32 $0xFFFFFFFF  }
0xe: {  	s18 =	sld [smem:$0x12];
	(tm) =	ssettm $0x1  }
0xf: {  	s19 =	sld [smem:$0x3FFB];
	_ =	sdelay $0x3  }
0x10: {  	_ =	strace s19  }
0x11: {  	s2 =	sld [smem:$0x3FFC];
	_ =	sdelay $0x3  }
0x12: {  	_ =	strace s2  }
0x13: {  	s2 =	sld [smem:$0x3FFD];
	_ =	sdelay $0x3  }
0x14: {  	_ =	strace s2  }
0x15: {  	_ =	strace $0x8FFFFFFF  }
0x16: {  	s20 =	sld [smem:$0x3FDB];
	_ =	sdelay $0x1  }
0x17: {  	s21 =	simm.s32 $_scs_section_size  }
0x18: {  	s5 =	simm.s32 $_size__tile_overlayer_lowered;
	s6 =	simm.s32 $_tile_overlayer_lowered  }
0x19: {  	s7 =	simm.s32 $0x1BFF;
	s22 =	sshll.u32 s6, $0x1;
	s4 =	sadd.s32 s21, s20  }
0x1a: {  	s23 =	simm.s32 $0x0;
	s5 =	sshll.u32 s5, $0x1;
	s6 =	sadd.s32 s22, s4  }
0x1b: {  	[timem:s23], [sflag:s7] =	dma.local [hbm:s6], s5  }
0x1c: {  	_ =	swait.ge [sflag:s7], s5  }
0x1d: {  	s5 =	ssub.s32 $0x0, s5;
	[sflag:s7] =	ssyncset.done $0x0  }
0x1e: {  	[sflag:s7] =	ssyncadd.s32 s5;
	_ =	sdelay $0x1  }
0x1f: {  	s24 =	simm.s32 $0x1B8B  }
0x20: {  	_ =	swait.ge [sflag:s24], $0x1  }
0x21: {  	[sflag:s24] =	ssyncset.done $0x0  }
0x22: {  	[sflag:s24] =	ssyncadd.s32 $0xFFFFFFFF  }
0x23: {  	s5 =	sld [smem:$0x0]  }
0x24: {  	s6 =	sand.u32 $0xFFFFFFFE, s1  }
0x25: {  	p0 =	sne.s32 s1, s6  }
0x26: {  	s6 =	sshll.u32 @p0 s6, $0xE  }
0x27: {  	s6 =	sadd.s32 @p0 $0x11B8D, s6;
	s7 =	sshll.u32 @p0 s5, $0x11  }
0x28: {  	s6 =	sor.u32 @p0 s7, s6  }
0x29: {  	[sflag:s6] =	ssyncadd.remote.s32 @p0 $0x1;
	_ =	sdelay $0x1  }
0x2a: {  	s6 =	simm.s32 @p0 $0x1B8D  }
0x2b: {  	_ =	swait.eq @p0 [sflag:s6], $0x1  }
0x2c: {  	[sflag:s6] =	ssyncadd.s32 @p0 $0xFFFFFFFF  }
0x2d: {  	s7 =	sshll.u32 @!p0 s1, $0xE  }
0x2e: {  	s7 =	sor.u32 @!p0 $0x4000, s7;
	s6 =	simm.s32 @!p0 $0x1B8D  }
0x2f: {  	s5 =	sshll.u32 @!p0 s5, $0x11;
	s7 =	sadd.s32 @!p0 $0x11B8D, s7;
	_ =	swait.eq @!p0 [sflag:s6], $0x1  }
0x30: {  	s5 =	sor.u32 @!p0 s5, s7;
	[sflag:s6] =	ssyncadd.s32 @!p0 $0xFFFFFFFF  }
0x31: {  	s26 =	simm.s32 $0x1B8E;
	s25 =	sld [smem:$0x3FFE];
	[sflag:s5] =	ssyncadd.remote.s32 @!p0 $0x1  }
0x32: {  	s27 =	simm.s32 $execute0_lowered;
	[smem:$0x3FD2] =	sst s26  }
0x33: {  	s6 =	sshll.u32 s27, $0x1;
	_ =	strace $0x80000049;
	[dreg:$0x1] =	wrdreg $0xFFFFFFFF  }
0x34: {  	s28 =	simm.s32 $_size_execute0_lowered;
	s4 =	sadd.s32 s4, s6;
	[dreg:$0x0] =	wrdreg $0x0  }
0x35: {  	s6 =	sshll.u32 s28, $0x1;
	[dreg:$0x2] =	wrdreg s4  }
0x36: {  	[dreg:$0x3] =	wrdreg s6  }
0x37: {  	[dreg:$0x4] =	wrdreg $0xC0  }
0x38: {  	_ =	task [dreg:s23], $0x5FFFF  }
0x39: {  	[dreg:$0x1] =	wrdreg $0xFFFFFFFF  }
0x3a: {  	[dreg:$0x0] =	wrdreg $0x60  }
0x3b: {  	[dreg:$0x2] =	wrdreg s25  }
0x3c: {  	[dreg:$0x3] =	wrdreg s18  }
0x3d: {  	[dreg:$0x4] =	wrdreg $0x9  }
0x3e: {  	_ =	task.clear_ibuf [dreg:s23], $0x5FFFF;
	_ =	strace $0x90000049  }
0x3f: {  	s29 =	simm.s32 $0x9;
	_ =	strace $0x8000004B  }
0x40: {  	_ =	swait.ge [sflag:s29], $0x1  }
0x41: {  	[sflag:s29] =	ssyncadd.s32 $0xFFFFFFFF  }
0x42: {  	_ =	strace $0x9000004B  }
0x43: {  	_ =	sfence  }
0x44: {  	s30 =	sld [smem:$0x0];
	_ =	sdelay $0x2  }
0x45: {  	s31 =	sshll.u32 s1, $0xD;
	s1 =	sshrl.u32 s1, $0x2  }
0x46: {  	s4 =	sand.u32 $0x4000, s31;
	s1 =	sadd.s32 s1, s30  }
0x47: {  	s0 =	sor.u32 s4, s0;
	s1 =	sshll.u32 s1, $0x11  }
0x48: {  	s0 =	sor.u32 s1, s0  }
0x49: {  	s0 =	sadd.s32 $0x8F2B, s0  }
0x4a: {  	[sflag:s0] =	ssyncadd.remote.s32 $0x1  }
0x4b: {  	_ =	sfence.sel $0xFFFF  }
0x4c: {  	[dreg:$0x0] =	wrdreg $0xFFFFFFFF;
	(pc) =	sbr.abs _section_cstart, $3  }
0x4d: {  	[dreg:$0x1] =	wrdreg $0xFFFFFFFF  }
0x4e: {  	_ =	task.clear_ibuf [dreg:s23], $0x2FFFF;
	_ =	strace $0x9FFFFFFF  }
0x4f: {  	(tm) =	ssettm $0x7FFFFFFF  }
tec
execute0_lowered:
.L_overlay_start_1:
0x0: {  	(tag) =	ssettag $0x1  }
0x1: {  	s5 =	rddreg [dreg:$0x0]  }
0x2: {  	s0 =	srdreg.scid;
	s2 =	rddreg [dreg:$0x1]  }
0x3: {  	s1 =	stileid.u32;
	s4 =	simm.s32 $0x1;
	s6 =	simm.s32 $0x2  }
0x4: {  	s12 =	simm.s32 $0x0;
	p0 =	por $0x0, $0x0;
	s3 =	sshll.u32 s0, $0x4  }
.Ltmp0:
0x5: {  	s11 =	simm.s32 $0x0;
	s3 =	sand.u32 $0x10, s3;
	(pc) =	sbr.rel .LBB1_1-.Ltmp0, $4  }
0x6: {  	s0 =	rddreg [dreg:$0x2];
	_ =	strace $0x8000004A;
	s3 =	sor.u32 s1, s3  }
0x7: {  	s9 =	simm.s32 $0x0;
	[sflag:s4] =	ssyncpa.u1 $0x0;
	s7 =	ssub.s32 $0x13A7, s3  }
0x8: {  	s10 =	simm.s32 $0x0;
	[sflag:s6] =	ssyncpa.u1 $0x0;
	s6 =	sshrl.u32 s7, $0x5  }
0x9: {  	s5 =	sadd.s32 $0xEA6800, s5;
	s8 =	smov.u32 s3;
	s7 =	sadd.s32 $0x1, s6  }
.LBB1_4:
0xa: {  	s15 =	sand.u32 $0x380, s11  }
0xb: {  	[tilespmem:s14+$0x810 ss:$0x81] =	vst.msk $0xffff, v2;
	s12 =	sshll.u32 s12, $0xA;
	s16 =	sshrl.u32 s11, $0x3;
	s15 =	sadd.s32 s2, s15  }
0xc: {  	[tilespmem:s14+$0x1020 ss:$0x81] =	vst.msk $0xffff, v0;
	s16 =	sand.u32 $0xF, s16;
	s12 =	sadd.s32 s12, s15  }
0xd: {  	[tilespmem:s14+$0x0 ss:$0x81] =	vst.msk $0xffff, v1;
	s31 =	sand.u32 $0x7, s11;
	s12 =	sadd.s32 s16, s12  }
0xe: {  	[hbm4b:s12+s31] =	stream.linear.scatter [tilespmem:s13], [sflag:$0x2], $0x2000, $0x20;
	[tilespmem:$0x8080] =	vst v63  }
.LBB1_5:
0xf: {  	s13 =	sadd.s32 $0x20, s8  }
0x10: {  	s11 =	sadd.s32 $0x80, s9;
	s15 =	smov.u32 s9;
	p2 =	sgt.s32 s13, $0x1387  }
0x11: {  	s15 =	smov.u32 @p2 s11  }
0x12: {  	s13 =	smov.u32 @p2 s3;
	p2 =	sgt.s32 s15, $0x7F  }
0x13: {  	s15 =	simm.s32 @p2 $0x0;
	p2 =	sne.s32 s10, s7  }
.Ltmp1:
0x14: {  	p1 =	slt.u32 s10, $0x2;
	(pc) =	sbr.rel @!p2 .LBB1_6-.Ltmp1, $4  }
0x15: {  	s14 =	simm.s32 @!p1 $0x2  }
0x16: {  	s12 =	smov.u32 s8;
	p0 =	por !p0, !p0;
	_ =	swait.ge @!p1 [sflag:s14], $0x2000  }
0x17: {  	s11 =	smov.u32 s9;
	[sflag:s14] =	ssyncset.done @!p1 $0x0;
	s8 =	smov.u32 s13  }
0x18: {  	s10 =	sadd.s32 $0x1, s10;
	[sflag:s14] =	ssyncadd.s32 @!p1 $0xFFFFE000;
	s9 =	smov.u32 s15  }
.LBB1_1:
0x19: {  	p1 =	sge.u32 s10, s6  }
0x1a: {  	s13 =	sand.u32 @!p1 $0x1FFFFFF, s8  }
0x1b: {  	s14 =	smulhi.u32 @!p1 $0x1A36E2F, s13;
	_ =	sdelay $0x1  }
0x1c: {  	s14 =	sshrl.u32 @!p1 s14, $0x5  }
0x1d: {  	s14 =	smul.u32 @!p1 $0x1388, s14  }
0x1e: {  	s15 =	sxor.u32 @!p1 $0xFFFFFFFF, s10;
	s16 =	smul.u32 @!p1 $0x13880, s9  }
0x1f: {  	s31 =	sadd.s32 $0xFFFFFFFF, s10;
	s15 =	sshll.u32 @!p1 s15, $0xD;
	s13 =	ssub.s32 @!p1 s13, s14  }
0x20: {  	s14 =	sand.u32 @!p1 $0x2000, s15;
	s15 =	sadd.s32 @!p1 s5, s16;
	s13 =	sshll.u32 @!p1 s13, $0x4  }
0x21: {  	s16 =	simm.s32 @!p1 $0x9C400;
	s13 =	sadd.s32 @!p1 s13, s15;
	s15 =	simm.s32 @!p1 $0x40  }
0x22: {  	[tilespmem:s14], [sflag:$0x1] =	stream.strided.gather @!p1 [hbm4b:s13+s15], $0x2000, s16, s15, $0x38;
	[tilespmem:$0x8080] =	vst v63  }
0x23: {  	p1 =	sge.u32 s31, s6  }
.Ltmp2:
0x24: {  	_ = 	snop;
	(pc) =	sbr.rel @p1 .LBB1_5-.Ltmp2, $1  }
0x25: {  	_ =	sdelay $0x3  }
0x26: {  	s13 =	simm.s32 $0x1  }
0x27: {  	_ =	swait.ge [sflag:s4], $0x2000;
	s13 =	simm.s32 @!p0 $0x0  }
0x28: {  	[sflag:s4] =	ssyncset.done $0x0;
	s14 =	sshll.u32 s13, $0xD  }
0x29: {  	[sflag:s4] =	ssyncadd.s32 $0xFFFFE000;
	s17 =	sor.u32 $0x20, s14  }
0x2a: {  	s13 =	smul.u32 $0x8100, s13;
	v3 =	vld [tilespmem:s17+$0x10]  }
0x2b: {  	s30 =	sand.u32 $0x1, s10;
	v2 =	vld [tilespmem:s17+$0xFFFFFFF0]  }
0x2c: {  	s14 =	smul.u32 $0x8100, s30;
	s13 =	sshrl.u32 s13, $0x2;
	v0 =	vld [tilespmem:s17+$0x0]  }
0x2d: {  	v1 =	vld [tilespmem:s17+$0xFFFFFFE0];
	s15 =	sor.u32 $0x4000, s13  }
0x2e: {  	s31 =	sshrl.u32 s14, $0x2;
	s14 =	sadd.s32 $0x0, s15  }
0x2f: {  	s16 =	simm.s32 $0x4;
	s17 =	sadd.s32 $0x40, s17;
	s13 =	sor.u32 $0x4000, s31;
	[tilespmem:s14+$0x1830 ss:$0x81] =	vst.msk $0xffff, v3  }
.LBB1_3:
0x30: {  	v3 =	vld [tilespmem:s17+$0x10];
	p1 =	sne.s32 s16, $0x1FC;
	[tilespmem:s14+$0x810 ss:$0x81] =	vst.msk $0xffff, v2;
	s18 =	smov.u32 s16;
	s16 =	sadd.s32 $0x4, s16  }
.Ltmp3:
0x31: {  	v2 =	vld [tilespmem:s17+$0xFFFFFFF0];
	[tilespmem:s14+$0x1020 ss:$0x81] =	vst.msk $0xffff, v0;
	(pc) =	sbr.rel @p1 .LBB1_3-.Ltmp3, $4  }
0x32: {  	v0 =	vld [tilespmem:s17+$0x0];
	[tilespmem:s14+$0x0 ss:$0x81] =	vst.msk $0xffff, v1  }
0x33: {  	s14 =	sshra.s32 s18, $0x2;
	v1 =	vld [tilespmem:s17+$0xFFFFFFE0]  }
0x34: {  	s14 =	sadd.s32 s14, s15  }
0x35: {  	s17 =	sadd.s32 $0x40, s17;
	[tilespmem:s14+$0x1830 ss:$0x81] =	vst.msk $0xffff, v3  }
.Ltmp4:
0x36: {  	_ = 	snop;
	(pc) =	sbr.rel .LBB1_4-.Ltmp4, $1  }
0x37: {  	_ =	sdelay $0x3  }
.LBB1_6:
0x38: {  	_ =	sfence.sel $0x180000  }
0x39: {  	s2 =	simm.s32 $0x1;
	[bflag:$0x0] =	sbarrier.arrive $0xFFFF  }
0x3a: {  	s31 =	simm.s32 $0x2;
	[sflag:s2] =	ssyncpa.u1 $0x1  }
0x3b: {  	[sflag:s31] =	ssyncpa.u1 $0x1  }
0x3c: {  	p0 =	sne.s32 s1, $0x0;
	_ =	strace $0x9000004A  }
0x3d: {  	s0 =	sadd.s32 @!p0 $0x100000, s0;
	[bflag:$0x2] =	sbarrier.arrive $0xFFFF  }
0x3e: {  	[sflag:s0] =	ssyncadd.tile.s32 @!p0 $0x1;
	_ =	shalt  }
.Lfunc_end1:
_tile_overlayer_lowered:
.L_overlay_start_2:
0x3f: {  	(tag) =	ssettag $0x2  }
0x40: {  	s0 =	rddreg [dreg:$0x0];
	s2 =	stileid.u32  }
0x41: {  	s1 =	rddreg [dreg:$0x1];
	p0 =	sne.s32 s2, $0x0  }
0x42: {  	s3 =	rddreg [dreg:$0x2];
	[bflag:$0x3] =	sbarrier.arrive $0xFFFF;
	s2 =	simm.s32 @!p0 $0x1C01  }
0x43: {  	[timem:s3], [sflag:s2] =	dma.local @!p0 [hbm:s0], s1  }
0x44: {  	s0 =	simm.s32 @!p0 $0x1  }
0x45: {  	_ =	swait.ge @!p0 [sflag:s0], s1  }
0x46: {  	s1 =	ssub.s32 @!p0 $0x0, s1;
	[sflag:s0] =	ssyncset.done @!p0 $0x0  }
0x47: {  	[sflag:s0] =	ssyncadd.s32 @!p0 s1  }
0x48: {  	[bflag:$0x3] =	sbarrier.arrive $0xFFFF  }
0x49: {  	_ =	shalt  }

</sc_bundles>
